<compile_context>
chip_gen: v7x
topology: tpu7x:2x2x1
jax: 0.10.2.dev20260603
libtpu: 0.0.44.dev20260713+nightly
codegen_flags: <defaults>
</compile_context>

<pallas_src>
import functools

import jax
import jax.numpy as jnp
from jax import lax
from jax.experimental import pallas as pl
from jax.experimental.pallas import tpu as pltpu
from jax.experimental.pallas import tpu_sc as plsc

B, D_IN, T = 8, 768, 2048
K, D_CODE = 8192, 64

TB = 1024
NT = T // TB
KC = 2048
NKC = K // KC

NW = 32
BPW = (B * T) // NW
GC = 128
NGC = BPW // GC
DPAD = 128


def _prep_body(in_v_ref, in_g_ref, out_v_ref, out_g_ref, cb_ref,
               w_in_ref, w_out_ref, cn_ref, c2_ref):
    v = in_v_ref[...]
    n = jnp.sqrt(jnp.sum(v * v, axis=1, keepdims=True))
    w_in_ref[...] = in_g_ref[...] * v / n
    u = out_v_ref[...]
    m = jnp.sqrt(jnp.sum(u * u, axis=1, keepdims=True))
    w_out_ref[...] = out_g_ref[...] * u / m
    cb = cb_ref[...]
    nc = jnp.sqrt(jnp.sum(cb * cb, axis=1, keepdims=True))
    cn = cb / jnp.maximum(nc, 1e-12)
    cn_ref[...] = cn
    c2_ref[...] = jnp.sum(cn * cn, axis=1, keepdims=True)


def _prep(in_v, in_g, out_v, out_g, cb):
    return pl.pallas_call(
        _prep_body,
        out_shape=[
            jax.ShapeDtypeStruct((D_CODE, D_IN), jnp.float32),
            jax.ShapeDtypeStruct((D_IN, D_CODE), jnp.float32),
            jax.ShapeDtypeStruct((K, D_CODE), jnp.float32),
            jax.ShapeDtypeStruct((K, 1), jnp.float32),
        ],
    )(in_v, in_g, out_v, out_g, cb)


def _enc_body(z_ref, w_ref, b_ref, cn_ref, c2_ref, ze_ref, idx_ref):
    ze = jnp.dot(w_ref[...], z_ref[0], preferred_element_type=jnp.float32)
    ze = ze + b_ref[...]
    ze_ref[0] = ze
    enc = ze.T
    n = jnp.sqrt(jnp.sum(enc * enc, axis=1, keepdims=True))
    e = enc / jnp.maximum(n, 1e-12)
    e2 = jnp.sum(e * e, axis=1, keepdims=True)
    halves = []
    for h in range(2):
        best_v = jnp.full((TB, 1), -jnp.inf, dtype=jnp.float32)
        best_i = jnp.zeros((TB, 1), dtype=jnp.int32)
        for jj in range(NKC // 2):
            j = h * (NKC // 2) + jj
            s = jnp.dot(e, cn_ref[:, j * KC:(j + 1) * KC],
                        preferred_element_type=jnp.float32)
            d = e2 - 2.0 * s + c2_ref[:, j * KC:(j + 1) * KC]
            negd = -d
            m = jnp.max(negd, axis=1, keepdims=True)
            ii = lax.broadcasted_iota(jnp.int32, (TB, KC), 1)
            a = jnp.min(jnp.where(negd == m, ii, K), axis=1, keepdims=True)
            a = a + j * KC
            upd = m > best_v
            best_i = jnp.where(upd, a, best_i)
            best_v = jnp.where(upd, m, best_v)
        halves.append((best_v, best_i))
    (m0, i0), (m1, i1) = halves
    u = lax.bitcast_convert_type(m0, jnp.int32)
    lsb = lax.shift_right_logical(u, 16) & 1
    uq = (u + 0x7FFF + lsb) & jnp.int32(-65536)
    m0q = lax.bitcast_convert_type(uq, jnp.float32)
    take = m1 > m0q
    idx_ref[0] = jnp.where(take, i1, i0)


def _encode(z, w_in, b_in, cn_t, c2_t):
    return pl.pallas_call(
        _enc_body,
        grid=(B, NT),
        in_specs=[
            pl.BlockSpec((1, D_IN, TB), lambda b, t: (b, 0, t)),
            pl.BlockSpec((D_CODE, D_IN), lambda b, t: (0, 0)),
            pl.BlockSpec((D_CODE, 1), lambda b, t: (0, 0)),
            pl.BlockSpec((D_CODE, K), lambda b, t: (0, 0)),
            pl.BlockSpec((1, K), lambda b, t: (0, 0)),
        ],
        out_specs=[
            pl.BlockSpec((1, D_CODE, TB), lambda b, t: (b, 0, t)),
            pl.BlockSpec((1, TB, 1), lambda b, t: (b * NT + t, 0, 0)),
        ],
        out_shape=[
            jax.ShapeDtypeStruct((B, D_CODE, T), jnp.float32),
            jax.ShapeDtypeStruct((B * NT, TB, 1), jnp.int32),
        ],
    )(z, w_in, b_in, cn_t, c2_t)


def _gather_body(table_hbm, idx_hbm, out_hbm, idx_v, rows_v, sem):
    wid = lax.axis_index("s") * 2 + lax.axis_index("c")
    base = wid * BPW
    pltpu.sync_copy(idx_hbm.at[pl.ds(base, BPW)], idx_v)
    copies = []
    for j in range(NGC):
        copies.append(pltpu.async_copy(
            table_hbm.at[idx_v.at[pl.ds(j * GC, GC)]],
            rows_v.at[pl.ds(j * GC, GC)], sem))
    for c in copies:
        c.wait()
    pltpu.sync_copy(rows_v, out_hbm.at[pl.ds(base, BPW)])


def _gather_rows(table_pad, idx_flat):
    mesh = plsc.VectorSubcoreMesh(core_axis_name="c", subcore_axis_name="s")
    fn = pl.kernel(
        _gather_body,
        mesh=mesh,
        out_type=jax.ShapeDtypeStruct((B * T, DPAD), jnp.float32),
        scratch_types=[
            pltpu.VMEM((BPW,), jnp.int32),
            pltpu.VMEM((BPW, DPAD), jnp.float32),
            pltpu.SemaphoreType.DMA,
        ],
    )
    return fn(table_pad, idx_flat)


def _dec_body(ze_ref, zq_ref, w_ref, b_ref, out_ref, loss_ref):
    t = pl.program_id(1)
    ze = ze_ref[0]
    zq = zq_ref[:, :D_CODE].T
    st = ze + (zq - ze)
    out = jnp.dot(w_ref[...], st, preferred_element_type=jnp.float32)
    out_ref[0] = out + b_ref[...]
    diff = ze - zq
    psum = jnp.sum(diff * diff)

    @pl.when(t == 0)
    def _():
        loss_ref[...] = jnp.zeros_like(loss_ref)

    loss_ref[...] += psum


def _decode(z_e, z_q_pad, w_out, b_out):
    return pl.pallas_call(
        _dec_body,
        grid=(B, NT),
        in_specs=[
            pl.BlockSpec((1, D_CODE, TB), lambda b, t: (b, 0, t)),
            pl.BlockSpec((TB, DPAD), lambda b, t: (b * NT + t, 0)),
            pl.BlockSpec((D_IN, D_CODE), lambda b, t: (0, 0)),
            pl.BlockSpec((D_IN, 1), lambda b, t: (0, 0)),
        ],
        out_specs=[
            pl.BlockSpec((1, D_IN, TB), lambda b, t: (b, 0, t)),
            pl.BlockSpec((1, 1, 128), lambda b, t: (b, 0, 0)),
        ],
        out_shape=[
            jax.ShapeDtypeStruct((B, D_IN, T), jnp.float32),
            jax.ShapeDtypeStruct((B, 1, 128), jnp.float32),
        ],
    )(z_e, z_q_pad, w_out, b_out)


def kernel(z, in_proj_v, in_proj_g, in_proj_b,
           out_proj_v, out_proj_g, out_proj_b, codebook):
    w_in, w_out, cn, c2 = _prep(in_proj_v, in_proj_g,
                                out_proj_v, out_proj_g, codebook)
    cn_t = cn.T
    c2_t = c2.reshape(1, K)
    b_in = in_proj_b.reshape(D_CODE, 1)
    b_out = out_proj_b.reshape(D_IN, 1)
    z_e, idx3 = _encode(z, w_in, b_in, cn_t, c2_t)
    indices = idx3.reshape(B, T)
    table_pad = jnp.pad(codebook, ((0, 0), (0, DPAD - D_CODE)))
    z_q_pad = _gather_rows(table_pad, indices.reshape(B * T))
    out, loss3 = _decode(z_e, z_q_pad, w_out, b_out)
    loss = loss3[:, 0, 0] / (D_CODE * T)
    return (out, loss, loss, indices, z_e)

# --- scband reference (transcript-rebuilt; emitter-appended) ---
"""Pipeline reference for scband-vector-quantize-1022202217162 (READ-ONLY COPY).

The authoritative reference and input builder live on the scoring server;
editing this copy changes nothing except your own understanding.
"""

import jax, jax.numpy as jnp
import numpy as np

B, D_IN, T = 8, 768, 2048
K, D_CODE = 8192, 64


def setup_inputs(seed: int = 0) -> dict:
    key = jax.random.key(seed)
    ks = jax.random.split(key, 6)
    z = jax.random.normal(ks[0], (B, D_IN, T), dtype=jnp.float32)
    in_proj_v = jax.random.normal(ks[1], (D_CODE, D_IN), dtype=jnp.float32) * 0.02
    in_proj_g = jnp.sqrt(jnp.sum(in_proj_v * in_proj_v, axis=1, keepdims=True))
    in_proj_b = jnp.zeros((D_CODE,), dtype=jnp.float32)
    out_proj_v = jax.random.normal(ks[2], (D_IN, D_CODE), dtype=jnp.float32) * 0.02
    out_proj_g = jnp.sqrt(jnp.sum(out_proj_v * out_proj_v, axis=1, keepdims=True))
    out_proj_b = jnp.zeros((D_IN,), dtype=jnp.float32)
    codebook = jax.random.normal(ks[3], (K, D_CODE), dtype=jnp.float32)
    return {
        'z': z,
        'in_proj_v': in_proj_v, 'in_proj_g': in_proj_g, 'in_proj_b': in_proj_b,
        'out_proj_v': out_proj_v, 'out_proj_g': out_proj_g, 'out_proj_b': out_proj_b,
        'codebook': codebook,
    }


def _wn(v, g):
    # weight_norm over dim=0: per-output-channel norm across remaining dims
    n = jnp.sqrt(jnp.sum(v * v, axis=1, keepdims=True))
    return g * v / n


def _l2norm(x):
    # F.normalize default: p=2, dim=1, eps=1e-12
    n = jnp.sqrt(jnp.sum(x * x, axis=1, keepdims=True))
    return x / jnp.maximum(n, 1e-12)


def reference(z, in_proj_v, in_proj_g, in_proj_b, out_proj_v, out_proj_g, out_proj_b, codebook):
    W_in = _wn(in_proj_v, in_proj_g)
    z_e = jnp.einsum('oi,bit->bot', W_in, z) + in_proj_b[None, :, None]

    # decode_latents
    enc = jnp.transpose(z_e, (0, 2, 1)).reshape(-1, D_CODE)  # (b t) d
    e = _l2norm(enc)
    c = _l2norm(codebook)
    dist = (jnp.sum(e * e, axis=1, keepdims=True)
            - 2.0 * (e @ c.T)
            + jnp.sum(c * c, axis=1)[None, :])
    indices = jnp.argmax(-dist, axis=1).reshape(z_e.shape[0], -1)  # [B, T]
    z_q = jnp.transpose(codebook[indices], (0, 2, 1))  # b d t (un-normalized codebook)

    commitment_loss = jnp.mean((z_e - jax.lax.stop_gradient(z_q)) ** 2, axis=(1, 2))
    codebook_loss = jnp.mean((z_q - jax.lax.stop_gradient(z_e)) ** 2, axis=(1, 2))

    z_q_st = z_e + jax.lax.stop_gradient(z_q - z_e)
    W_out = _wn(out_proj_v, out_proj_g)
    out = jnp.einsum('oi,bit->bot', W_out, z_q_st) + out_proj_b[None, :, None]
    return (out, commitment_loss, codebook_loss, indices, z_e)

if __name__ == "__main__":
    import jax
    _d = setup_inputs()
    print(jax.jit(kernel)(*tuple(_d.values())))

</pallas_src>

<mosaic_0001>
#map = affine_map<(d0, d1) -> (0, 0)>
#map1 = affine_map<(d0, d1) -> (0)>
module attributes {stable_mosaic.version = 14 : i64} {
  func.func @_gather_body(%arg0: i32, %arg1: i32, %arg2: memref<8192x128xf32, #tpu.memory_space<hbm>>, %arg3: memref<16384xi32, #tpu.memory_space<hbm>>, %arg4: memref<16384x128xf32, #tpu.memory_space<hbm>>, %arg5: memref<512xi32, #tpu.memory_space<vmem>>, %arg6: memref<512x128xf32, #tpu.memory_space<vmem>>, %arg7: memref<!tpu.dma_semaphore, #tpu.memory_space<semaphore_mem>>) attributes {dimension_semantics = [#tpu.dimension_semantics<core_parallel>, #tpu.dimension_semantics<subcore_parallel>], iteration_bounds = array<i64: 2, 16>, scalar_prefetch = 0 : i64, scratch_operands = 3 : i64, tpu.core_type = #tpu.core_type<sc_vector_subcore>, window_params = [{transform_indices = #map}, {transform_indices = #map1}, {transform_indices = #map}]} {
    %mul3A = arith.constant 2 : i32
    %mul3A_0 = arith.muli %arg1, %mul3A : i32
    %add3A = arith.addi %mul3A_0, %arg0 : i32
    %mul3A_1 = arith.constant 512 : i32
    %mul3A_2 = arith.muli %add3A, %mul3A_1 : i32
    "tpu.region"() ({
      %run_scoped3A = tpu.sem_alloc : memref<!tpu.dma_semaphore, #tpu.memory_space<semaphore_mem>>
      %dma_start3A_65 = tpu.memref_slice %arg3[%mul3A_2] : memref<16384xi32, #tpu.memory_space<hbm>> -> memref<512xi32, #tpu.memory_space<hbm>>
      %dma_start3A_66 = tpu.memref_slice %arg3[%mul3A_2] : memref<16384xi32, #tpu.memory_space<hbm>> -> memref<512xi32, #tpu.memory_space<hbm>>
      tpu.enqueue_dma source(%dma_start3A_66 : memref<512xi32, #tpu.memory_space<hbm>>) target(%arg5 : memref<512xi32, #tpu.memory_space<vmem>>) target_semaphore(%run_scoped3A : memref<!tpu.dma_semaphore, #tpu.memory_space<semaphore_mem>>)
      %dma_wait3A_67 = tpu.memref_slice %arg3[%mul3A_2] : memref<16384xi32, #tpu.memory_space<hbm>> -> memref<512xi32, #tpu.memory_space<hbm>>
      %dma_wait3A_68 = tpu.memref_slice %arg3[%mul3A_2] : memref<16384xi32, #tpu.memory_space<hbm>> -> memref<512xi32, #tpu.memory_space<hbm>>
      tpu.wait_dma2 semaphore(%run_scoped3A : memref<!tpu.dma_semaphore, #tpu.memory_space<semaphore_mem>>) src(%dma_wait3A_68 : memref<512xi32, #tpu.memory_space<hbm>>) dst(%arg5 : memref<512xi32, #tpu.memory_space<vmem>>)
      tpu.yield
    }) : () -> ()
    %dma_start3A = arith.constant 0 : i32
    %dma_start3A_3 = arith.constant 0 : i32
    %dma_start3A_4 = tpu.memref_slice %arg6[%dma_start3A, %dma_start3A_3] : memref<512x128xf32, #tpu.memory_space<vmem>> -> memref<128x128xf32, #tpu.memory_space<vmem>>
    %dma_start3A_5 = arith.constant 0 : i32
    %dma_start3A_6 = tpu.memref_slice %arg5[%dma_start3A_5] : memref<512xi32, #tpu.memory_space<vmem>> -> memref<128xi32, #tpu.memory_space<vmem>>
    %dma_start3A_7 = arith.constant 0 : i32
    %dma_start3A_8 = arith.constant 0 : i32
    %dma_start3A_9 = tpu.memref_slice %arg2[%dma_start3A_7, %dma_start3A_8] : memref<8192x128xf32, #tpu.memory_space<hbm>> -> memref<8192x128xf32, #tpu.memory_space<hbm>>
    tpu.enqueue_indirect_dma source(%dma_start3A_9 : memref<8192x128xf32, #tpu.memory_space<hbm>>) target(%dma_start3A_4 : memref<128x128xf32, #tpu.memory_space<vmem>>) offsets(%dma_start3A_6 : memref<128xi32, #tpu.memory_space<vmem>>) semaphore(%arg7 : memref<!tpu.dma_semaphore, #tpu.memory_space<semaphore_mem>>)
    %dma_start3A_10 = arith.constant 128 : i32
    %dma_start3A_11 = arith.constant 0 : i32
    %dma_start3A_12 = tpu.memref_slice %arg6[%dma_start3A_10, %dma_start3A_11] : memref<512x128xf32, #tpu.memory_space<vmem>> -> memref<128x128xf32, #tpu.memory_space<vmem>>
    %dma_start3A_13 = arith.constant 128 : i32
    %dma_start3A_14 = tpu.memref_slice %arg5[%dma_start3A_13] : memref<512xi32, #tpu.memory_space<vmem>> -> memref<128xi32, #tpu.memory_space<vmem>>
    %dma_start3A_15 = arith.constant 0 : i32
    %dma_start3A_16 = arith.constant 0 : i32
    %dma_start3A_17 = tpu.memref_slice %arg2[%dma_start3A_15, %dma_start3A_16] : memref<8192x128xf32, #tpu.memory_space<hbm>> -> memref<8192x128xf32, #tpu.memory_space<hbm>>
    tpu.enqueue_indirect_dma source(%dma_start3A_17 : memref<8192x128xf32, #tpu.memory_space<hbm>>) target(%dma_start3A_12 : memref<128x128xf32, #tpu.memory_space<vmem>>) offsets(%dma_start3A_14 : memref<128xi32, #tpu.memory_space<vmem>>) semaphore(%arg7 : memref<!tpu.dma_semaphore, #tpu.memory_space<semaphore_mem>>)
    %dma_start3A_18 = arith.constant 256 : i32
    %dma_start3A_19 = arith.constant 0 : i32
    %dma_start3A_20 = tpu.memref_slice %arg6[%dma_start3A_18, %dma_start3A_19] : memref<512x128xf32, #tpu.memory_space<vmem>> -> memref<128x128xf32, #tpu.memory_space<vmem>>
    %dma_start3A_21 = arith.constant 256 : i32
    %dma_start3A_22 = tpu.memref_slice %arg5[%dma_start3A_21] : memref<512xi32, #tpu.memory_space<vmem>> -> memref<128xi32, #tpu.memory_space<vmem>>
    %dma_start3A_23 = arith.constant 0 : i32
    %dma_start3A_24 = arith.constant 0 : i32
    %dma_start3A_25 = tpu.memref_slice %arg2[%dma_start3A_23, %dma_start3A_24] : memref<8192x128xf32, #tpu.memory_space<hbm>> -> memref<8192x128xf32, #tpu.memory_space<hbm>>
    tpu.enqueue_indirect_dma source(%dma_start3A_25 : memref<8192x128xf32, #tpu.memory_space<hbm>>) target(%dma_start3A_20 : memref<128x128xf32, #tpu.memory_space<vmem>>) offsets(%dma_start3A_22 : memref<128xi32, #tpu.memory_space<vmem>>) semaphore(%arg7 : memref<!tpu.dma_semaphore, #tpu.memory_space<semaphore_mem>>)
    %dma_start3A_26 = arith.constant 384 : i32
    %dma_start3A_27 = arith.constant 0 : i32
    %dma_start3A_28 = tpu.memref_slice %arg6[%dma_start3A_26, %dma_start3A_27] : memref<512x128xf32, #tpu.memory_space<vmem>> -> memref<128x128xf32, #tpu.memory_space<vmem>>
    %dma_start3A_29 = arith.constant 384 : i32
    %dma_start3A_30 = tpu.memref_slice %arg5[%dma_start3A_29] : memref<512xi32, #tpu.memory_space<vmem>> -> memref<128xi32, #tpu.memory_space<vmem>>
    %dma_start3A_31 = arith.constant 0 : i32
    %dma_start3A_32 = arith.constant 0 : i32
    %dma_start3A_33 = tpu.memref_slice %arg2[%dma_start3A_31, %dma_start3A_32] : memref<8192x128xf32, #tpu.memory_space<hbm>> -> memref<8192x128xf32, #tpu.memory_space<hbm>>
    tpu.enqueue_indirect_dma source(%dma_start3A_33 : memref<8192x128xf32, #tpu.memory_space<hbm>>) target(%dma_start3A_28 : memref<128x128xf32, #tpu.memory_space<vmem>>) offsets(%dma_start3A_30 : memref<128xi32, #tpu.memory_space<vmem>>) semaphore(%arg7 : memref<!tpu.dma_semaphore, #tpu.memory_space<semaphore_mem>>)
    %dma_wait3A = arith.constant 0 : i32
    %dma_wait3A_34 = arith.constant 0 : i32
    %dma_wait3A_35 = tpu.memref_slice %arg6[%dma_wait3A, %dma_wait3A_34] : memref<512x128xf32, #tpu.memory_space<vmem>> -> memref<128x128xf32, #tpu.memory_space<vmem>>
    %dma_wait3A_36 = arith.constant 0 : i32
    %dma_wait3A_37 = tpu.memref_slice %arg5[%dma_wait3A_36] : memref<512xi32, #tpu.memory_space<vmem>> -> memref<128xi32, #tpu.memory_space<vmem>>
    %dma_wait3A_38 = arith.constant 0 : i32
    %dma_wait3A_39 = arith.constant 0 : i32
    %dma_wait3A_40 = tpu.memref_slice %arg2[%dma_wait3A_38, %dma_wait3A_39] : memref<8192x128xf32, #tpu.memory_space<hbm>> -> memref<8192x128xf32, #tpu.memory_space<hbm>>
    tpu.wait_indirect_dma semaphore(%arg7 : memref<!tpu.dma_semaphore, #tpu.memory_space<semaphore_mem>>) src(%dma_wait3A_40 : memref<8192x128xf32, #tpu.memory_space<hbm>>) dst(%dma_wait3A_35 : memref<128x128xf32, #tpu.memory_space<vmem>>)
    %dma_wait3A_41 = arith.constant 128 : i32
    %dma_wait3A_42 = arith.constant 0 : i32
    %dma_wait3A_43 = tpu.memref_slice %arg6[%dma_wait3A_41, %dma_wait3A_42] : memref<512x128xf32, #tpu.memory_space<vmem>> -> memref<128x128xf32, #tpu.memory_space<vmem>>
    %dma_wait3A_44 = arith.constant 128 : i32
    %dma_wait3A_45 = tpu.memref_slice %arg5[%dma_wait3A_44] : memref<512xi32, #tpu.memory_space<vmem>> -> memref<128xi32, #tpu.memory_space<vmem>>
    %dma_wait3A_46 = arith.constant 0 : i32
    %dma_wait3A_47 = arith.constant 0 : i32
    %dma_wait3A_48 = tpu.memref_slice %arg2[%dma_wait3A_46, %dma_wait3A_47] : memref<8192x128xf32, #tpu.memory_space<hbm>> -> memref<8192x128xf32, #tpu.memory_space<hbm>>
    tpu.wait_indirect_dma semaphore(%arg7 : memref<!tpu.dma_semaphore, #tpu.memory_space<semaphore_mem>>) src(%dma_wait3A_48 : memref<8192x128xf32, #tpu.memory_space<hbm>>) dst(%dma_wait3A_43 : memref<128x128xf32, #tpu.memory_space<vmem>>)
    %dma_wait3A_49 = arith.constant 256 : i32
    %dma_wait3A_50 = arith.constant 0 : i32
    %dma_wait3A_51 = tpu.memref_slice %arg6[%dma_wait3A_49, %dma_wait3A_50] : memref<512x128xf32, #tpu.memory_space<vmem>> -> memref<128x128xf32, #tpu.memory_space<vmem>>
    %dma_wait3A_52 = arith.constant 256 : i32
    %dma_wait3A_53 = tpu.memref_slice %arg5[%dma_wait3A_52] : memref<512xi32, #tpu.memory_space<vmem>> -> memref<128xi32, #tpu.memory_space<vmem>>
    %dma_wait3A_54 = arith.constant 0 : i32
    %dma_wait3A_55 = arith.constant 0 : i32
    %dma_wait3A_56 = tpu.memref_slice %arg2[%dma_wait3A_54, %dma_wait3A_55] : memref<8192x128xf32, #tpu.memory_space<hbm>> -> memref<8192x128xf32, #tpu.memory_space<hbm>>
    tpu.wait_indirect_dma semaphore(%arg7 : memref<!tpu.dma_semaphore, #tpu.memory_space<semaphore_mem>>) src(%dma_wait3A_56 : memref<8192x128xf32, #tpu.memory_space<hbm>>) dst(%dma_wait3A_51 : memref<128x128xf32, #tpu.memory_space<vmem>>)
    %dma_wait3A_57 = arith.constant 384 : i32
    %dma_wait3A_58 = arith.constant 0 : i32
    %dma_wait3A_59 = tpu.memref_slice %arg6[%dma_wait3A_57, %dma_wait3A_58] : memref<512x128xf32, #tpu.memory_space<vmem>> -> memref<128x128xf32, #tpu.memory_space<vmem>>
    %dma_wait3A_60 = arith.constant 384 : i32
    %dma_wait3A_61 = tpu.memref_slice %arg5[%dma_wait3A_60] : memref<512xi32, #tpu.memory_space<vmem>> -> memref<128xi32, #tpu.memory_space<vmem>>
    %dma_wait3A_62 = arith.constant 0 : i32
    %dma_wait3A_63 = arith.constant 0 : i32
    %dma_wait3A_64 = tpu.memref_slice %arg2[%dma_wait3A_62, %dma_wait3A_63] : memref<8192x128xf32, #tpu.memory_space<hbm>> -> memref<8192x128xf32, #tpu.memory_space<hbm>>
    tpu.wait_indirect_dma semaphore(%arg7 : memref<!tpu.dma_semaphore, #tpu.memory_space<semaphore_mem>>) src(%dma_wait3A_64 : memref<8192x128xf32, #tpu.memory_space<hbm>>) dst(%dma_wait3A_59 : memref<128x128xf32, #tpu.memory_space<vmem>>)
    "tpu.region"() ({
      %run_scoped3A = tpu.sem_alloc : memref<!tpu.dma_semaphore, #tpu.memory_space<semaphore_mem>>
      %dma_start3A_65 = arith.constant 0 : i32
      %dma_start3A_66 = tpu.memref_slice %arg4[%mul3A_2, %dma_start3A_65] : memref<16384x128xf32, #tpu.memory_space<hbm>> -> memref<512x128xf32, #tpu.memory_space<hbm>>
      %dma_start3A_67 = arith.constant 0 : i32
      %dma_start3A_68 = tpu.memref_slice %arg4[%mul3A_2, %dma_start3A_67] : memref<16384x128xf32, #tpu.memory_space<hbm>> -> memref<512x128xf32, #tpu.memory_space<hbm>>
      tpu.enqueue_dma source(%arg6 : memref<512x128xf32, #tpu.memory_space<vmem>>) target(%dma_start3A_68 : memref<512x128xf32, #tpu.memory_space<hbm>>) target_semaphore(%run_scoped3A : memref<!tpu.dma_semaphore, #tpu.memory_space<semaphore_mem>>)
      %dma_wait3A_69 = arith.constant 0 : i32
      %dma_wait3A_70 = tpu.memref_slice %arg4[%mul3A_2, %dma_wait3A_69] : memref<16384x128xf32, #tpu.memory_space<hbm>> -> memref<512x128xf32, #tpu.memory_space<hbm>>
      %dma_wait3A_71 = arith.constant 0 : i32
      %dma_wait3A_72 = tpu.memref_slice %arg4[%mul3A_2, %dma_wait3A_71] : memref<16384x128xf32, #tpu.memory_space<hbm>> -> memref<512x128xf32, #tpu.memory_space<hbm>>
      tpu.wait_dma2 semaphore(%run_scoped3A : memref<!tpu.dma_semaphore, #tpu.memory_space<semaphore_mem>>) src(%arg6 : memref<512x128xf32, #tpu.memory_space<vmem>>) dst(%dma_wait3A_72 : memref<512x128xf32, #tpu.memory_space<hbm>>)
      tpu.yield
    }) : () -> ()
    return
  }
}

module attributes {stable_mosaic.version = 14 : i64} {
  func.func @_prep_body(%arg0: memref<64x768xf32, #tpu.memory_space<vmem>>, %arg1: memref<64x1xf32, #tpu.memory_space<vmem>>, %arg2: memref<768x64xf32, #tpu.memory_space<vmem>>, %arg3: memref<768x1xf32, #tpu.memory_space<vmem>>, %arg4: memref<8192x64xf32, #tpu.memory_space<vmem>>, %arg5: memref<64x768xf32, #tpu.memory_space<vmem>>, %arg6: memref<768x64xf32, #tpu.memory_space<vmem>>, %arg7: memref<8192x64xf32, #tpu.memory_space<vmem>>, %arg8: memref<8192x1xf32, #tpu.memory_space<vmem>>) attributes {dimension_semantics = [], scalar_prefetch = 0 : i64, scratch_operands = 0 : i64, tpu.core_type = #tpu.core_type<tc>} {
    %get3A = arith.constant 0 : index
    %get3A_0 = arith.constant 0 : index
    %get3A_1 = vector.load %arg0[%get3A, %get3A_0] : memref<64x768xf32, #tpu.memory_space<vmem>>, vector<64x768xf32>
    %mul3A = arith.mulf %get3A_1, %get3A_1 : vector<64x768xf32>
    %reduce_sum3A = arith.constant dense<0.000000e+00> : vector<64xf32>
    %reduce_sum3A_2 = vector.multi_reduction <add>, %mul3A, %reduce_sum3A [1] : vector<64x768xf32> to vector<64xf32>
    %broadcast_in_dim3A = vector.shape_cast %reduce_sum3A_2 : vector<64xf32> to vector<64x1xf32>
    %sqrt3A = math.sqrt %broadcast_in_dim3A : vector<64x1xf32>
    %get3A_3 = arith.constant 0 : index
    %get3A_4 = arith.constant 0 : index
    %get3A_5 = vector.load %arg1[%get3A_3, %get3A_4] : memref<64x1xf32, #tpu.memory_space<vmem>>, vector<64x1xf32>
    %mul3A_6 = vector.broadcast %get3A_5 : vector<64x1xf32> to vector<64x768xf32>
    %mul3A_7 = arith.mulf %mul3A_6, %get3A_1 : vector<64x768xf32>
    %div3A = vector.broadcast %sqrt3A : vector<64x1xf32> to vector<64x768xf32>
    %div3A_8 = arith.divf %mul3A_7, %div3A : vector<64x768xf32>
    %swap3A = arith.constant 0 : index
    %swap3A_9 = arith.constant 0 : index
    %swap3A_10 = vector.load %arg5[%swap3A, %swap3A_9] : memref<64x768xf32, #tpu.memory_space<vmem>>, vector<64x768xf32>
    tpu.vector_store %arg5[%swap3A, %swap3A_9], %div3A_8 {strides = array<i32>} : memref<64x768xf32, #tpu.memory_space<vmem>>, vector<64x768xf32>,
    %get3A_11 = arith.constant 0 : index
    %get3A_12 = arith.constant 0 : index
    %get3A_13 = vector.load %arg2[%get3A_11, %get3A_12] : memref<768x64xf32, #tpu.memory_space<vmem>>, vector<768x64xf32>
    %mul3A_14 = arith.mulf %get3A_13, %get3A_13 : vector<768x64xf32>
    %reduce_sum3A_15 = arith.constant dense<0.000000e+00> : vector<768xf32>
    %reduce_sum3A_16 = vector.multi_reduction <add>, %mul3A_14, %reduce_sum3A_15 [1] : vector<768x64xf32> to vector<768xf32>
    %broadcast_in_dim3A_17 = vector.shape_cast %reduce_sum3A_16 : vector<768xf32> to vector<768x1xf32>
    %sqrt3A_18 = math.sqrt %broadcast_in_dim3A_17 : vector<768x1xf32>
    %get3A_19 = arith.constant 0 : index
    %get3A_20 = arith.constant 0 : index
    %get3A_21 = vector.load %arg3[%get3A_19, %get3A_20] : memref<768x1xf32, #tpu.memory_space<vmem>>, vector<768x1xf32>
    %mul3A_22 = vector.broadcast %get3A_21 : vector<768x1xf32> to vector<768x64xf32>
    %mul3A_23 = arith.mulf %mul3A_22, %get3A_13 : vector<768x64xf32>
    %div3A_24 = vector.broadcast %sqrt3A_18 : vector<768x1xf32> to vector<768x64xf32>
    %div3A_25 = arith.divf %mul3A_23, %div3A_24 : vector<768x64xf32>
    %swap3A_26 = arith.constant 0 : index
    %swap3A_27 = arith.constant 0 : index
    %swap3A_28 = vector.load %arg6[%swap3A_26, %swap3A_27] : memref<768x64xf32, #tpu.memory_space<vmem>>, vector<768x64xf32>
    tpu.vector_store %arg6[%swap3A_26, %swap3A_27], %div3A_25 {strides = array<i32>} : memref<768x64xf32, #tpu.memory_space<vmem>>, vector<768x64xf32>,
    %get3A_29 = arith.constant 0 : index
    %get3A_30 = arith.constant 0 : index
    %get3A_31 = vector.load %arg4[%get3A_29, %get3A_30] : memref<8192x64xf32, #tpu.memory_space<vmem>>, vector<8192x64xf32>
    %mul3A_32 = arith.mulf %get3A_31, %get3A_31 : vector<8192x64xf32>
    %reduce_sum3A_33 = arith.constant dense<0.000000e+00> : vector<8192xf32>
    %reduce_sum3A_34 = vector.multi_reduction <add>, %mul3A_32, %reduce_sum3A_33 [1] : vector<8192x64xf32> to vector<8192xf32>
    %broadcast_in_dim3A_35 = vector.shape_cast %reduce_sum3A_34 : vector<8192xf32> to vector<8192x1xf32>
    %sqrt3A_36 = math.sqrt %broadcast_in_dim3A_35 : vector<8192x1xf32>
    %max3A = arith.constant 9.99999996E-13 : f32
    %max3A_37 = vector.broadcast %max3A : f32 to vector<8192x1xf32>
    %max3A_38 = arith.maximumf %sqrt3A_36, %max3A_37 : vector<8192x1xf32>
    %div3A_39 = vector.broadcast %max3A_38 : vector<8192x1xf32> to vector<8192x64xf32>
    %div3A_40 = arith.divf %get3A_31, %div3A_39 : vector<8192x64xf32>
    %swap3A_41 = arith.constant 0 : index
    %swap3A_42 = arith.constant 0 : index
    %swap3A_43 = vector.load %arg7[%swap3A_41, %swap3A_42] : memref<8192x64xf32, #tpu.memory_space<vmem>>, vector<8192x64xf32>
    tpu.vector_store %arg7[%swap3A_41, %swap3A_42], %div3A_40 {strides = array<i32>} : memref<8192x64xf32, #tpu.memory_space<vmem>>, vector<8192x64xf32>,
    %mul3A_44 = arith.mulf %div3A_40, %div3A_40 : vector<8192x64xf32>
    %reduce_sum3A_45 = arith.constant dense<0.000000e+00> : vector<8192xf32>
    %reduce_sum3A_46 = vector.multi_reduction <add>, %mul3A_44, %reduce_sum3A_45 [1] : vector<8192x64xf32> to vector<8192xf32>
    %broadcast_in_dim3A_47 = vector.shape_cast %reduce_sum3A_46 : vector<8192xf32> to vector<8192x1xf32>
    %swap3A_48 = arith.constant 0 : index
    %swap3A_49 = arith.constant 0 : index
    %swap3A_50 = vector.load %arg8[%swap3A_48, %swap3A_49] : memref<8192x1xf32, #tpu.memory_space<vmem>>, vector<8192x1xf32>
    tpu.vector_store %arg8[%swap3A_48, %swap3A_49], %broadcast_in_dim3A_47 {strides = array<i32>} : memref<8192x1xf32, #tpu.memory_space<vmem>>, vector<8192x1xf32>,
    return
  }
}

module attributes {stable_mosaic.version = 14 : i64} {
  func.func @_enc_body(%arg0: i32, %arg1: i32, %arg2: memref<1x768x1024xf32, #tpu.memory_space<vmem>>, %arg3: memref<64x768xf32, #tpu.memory_space<vmem>>, %arg4: memref<64x1xf32, #tpu.memory_space<vmem>>, %arg5: memref<64x8192xf32, #tpu.memory_space<vmem>>, %arg6: memref<1x8192xf32, #tpu.memory_space<vmem>>, %arg7: memref<1x64x1024xf32, #tpu.memory_space<vmem>>, %arg8: memref<1x1024x1xi32, #tpu.memory_space<vmem>>) attributes {dimension_semantics = [#tpu.dimension_semantics<arbitrary>, #tpu.dimension_semantics<arbitrary>], iteration_bounds = array<i64: 8, 2>, scalar_prefetch = 0 : i64, scratch_operands = 0 : i64, tpu.core_type = #tpu.core_type<tc>, window_params = [{transform_indices = @transform_0, window_bounds = array<i64: 1, 768, 1024>}, {pipeline_mode = #tpu.pipeline_mode<synchronous>, transform_indices = @transform_1, window_bounds = array<i64: 64, 768>}, {pipeline_mode = #tpu.pipeline_mode<synchronous>, transform_indices = @transform_2, window_bounds = array<i64: 64, 1>}, {pipeline_mode = #tpu.pipeline_mode<synchronous>, transform_indices = @transform_3, window_bounds = array<i64: 64, 8192>}, {pipeline_mode = #tpu.pipeline_mode<synchronous>, transform_indices = @transform_4, window_bounds = array<i64: 1, 8192>}, {transform_indices = @transform_5, window_bounds = array<i64: 1, 64, 1024>}, {transform_indices = @transform_6, window_bounds = array<i64: 1, 1024, 1>}]} {
    %get3A = arith.constant 0 : index
    %get3A_0 = arith.constant 0 : index
    %get3A_1 = vector.load %arg3[%get3A, %get3A_0] : memref<64x768xf32, #tpu.memory_space<vmem>>, vector<64x768xf32>
    %get3A_2 = arith.constant 0 : index
    %get3A_3 = arith.constant 0 : index
    %get3A_4 = arith.constant 0 : index
    %get3A_5 = vector.load %arg2[%get3A_2, %get3A_3, %get3A_4] : memref<1x768x1024xf32, #tpu.memory_space<vmem>>, vector<1x768x1024xf32>
    %get3A_6 = vector.shape_cast %get3A_5 : vector<1x768x1024xf32> to vector<768x1024xf32>
    %dot_general3A = arith.constant dense<0.000000e+00> : vector<64x1024xf32>
    %dot_general3A_7 = tpu.matmul %get3A_1, %get3A_6, %dot_general3A {dimension_numbers = #tpu.dot_dimension_numbers<[1], [0], [0], [1], [0, 0, 1, 1], [], []>, transpose_lhs_hint = false} : vector<64x768xf32>, vector<768x1024xf32>, vector<64x1024xf32> -> vector<64x1024xf32>
    %get3A_8 = arith.constant 0 : index
    %get3A_9 = arith.constant 0 : index
    %get3A_10 = vector.load %arg4[%get3A_8, %get3A_9] : memref<64x1xf32, #tpu.memory_space<vmem>>, vector<64x1xf32>
    %add3A = vector.broadcast %get3A_10 : vector<64x1xf32> to vector<64x1024xf32>
    %add3A_11 = arith.addf %dot_general3A_7, %add3A : vector<64x1024xf32>
    %swap3A = arith.constant 0 : index
    %swap3A_12 = arith.constant 0 : index
    %swap3A_13 = arith.constant 0 : index
    %swap3A_14 = vector.load %arg7[%swap3A, %swap3A_12, %swap3A_13] : memref<1x64x1024xf32, #tpu.memory_space<vmem>>, vector<1x64x1024xf32>
    %swap3A_15 = vector.shape_cast %swap3A_14 : vector<1x64x1024xf32> to vector<64x1024xf32>
    %swap3A_16 = vector.shape_cast %add3A_11 : vector<64x1024xf32> to vector<1x64x1024xf32>
    tpu.vector_store %arg7[%swap3A, %swap3A_12, %swap3A_13], %swap3A_16 {strides = array<i32>} : memref<1x64x1024xf32, #tpu.memory_space<vmem>>, vector<1x64x1024xf32>,
    %transpose3A = tpu.transpose %add3A_11, [1, 0] : vector<64x1024xf32> -> vector<1024x64xf32>
    %mul3A = arith.mulf %transpose3A, %transpose3A : vector<1024x64xf32>
    %reduce_sum3A = arith.constant dense<0.000000e+00> : vector<1024xf32>
    %reduce_sum3A_17 = vector.multi_reduction <add>, %mul3A, %reduce_sum3A [1] : vector<1024x64xf32> to vector<1024xf32>
    %broadcast_in_dim3A = vector.shape_cast %reduce_sum3A_17 : vector<1024xf32> to vector<1024x1xf32>
    %sqrt3A = math.sqrt %broadcast_in_dim3A : vector<1024x1xf32>
    %max3A = arith.constant 9.99999996E-13 : f32
    %max3A_18 = vector.broadcast %max3A : f32 to vector<1024x1xf32>
    %max3A_19 = arith.maximumf %sqrt3A, %max3A_18 : vector<1024x1xf32>
    %div3A = vector.broadcast %max3A_19 : vector<1024x1xf32> to vector<1024x64xf32>
    %div3A_20 = arith.divf %transpose3A, %div3A : vector<1024x64xf32>
    %mul3A_21 = arith.mulf %div3A_20, %div3A_20 : vector<1024x64xf32>
    %reduce_sum3A_22 = arith.constant dense<0.000000e+00> : vector<1024xf32>
    %reduce_sum3A_23 = vector.multi_reduction <add>, %mul3A_21, %reduce_sum3A_22 [1] : vector<1024x64xf32> to vector<1024xf32>
    %broadcast_in_dim3A_24 = vector.shape_cast %reduce_sum3A_23 : vector<1024xf32> to vector<1024x1xf32>
    %broadcast_in_dim3A_25 = arith.constant 0xFF800000 : f32
    %broadcast_in_dim3A_26 = vector.broadcast %broadcast_in_dim3A_25 : f32 to vector<1024x1xf32>
    %broadcast_in_dim3A_27 = arith.constant 0 : i32
    %broadcast_in_dim3A_28 = vector.broadcast %broadcast_in_dim3A_27 : i32 to vector<1024x1xi32>
    %get3A_29 = arith.constant 0 : index
    %get3A_30 = arith.constant 0 : index
    %get3A_31 = vector.load %arg5[%get3A_29, %get3A_30] : memref<64x8192xf32, #tpu.memory_space<vmem>>, vector<64x2048xf32>
    %dot_general3A_32 = arith.constant dense<0.000000e+00> : vector<1024x2048xf32>
    %dot_general3A_33 = tpu.matmul %div3A_20, %get3A_31, %dot_general3A_32 {dimension_numbers = #tpu.dot_dimension_numbers<[1], [0], [0], [1], [0, 0, 1, 1], [], []>, transpose_lhs_hint = false} : vector<1024x64xf32>, vector<64x2048xf32>, vector<1024x2048xf32> -> vector<1024x2048xf32>
    %mul3A_34 = arith.constant 2.000000e+00 : f32
    %mul3A_35 = vector.broadcast %mul3A_34 : f32 to vector<1024x2048xf32>
    %mul3A_36 = arith.mulf %mul3A_35, %dot_general3A_33 : vector<1024x2048xf32>
    %sub3A = vector.broadcast %broadcast_in_dim3A_24 : vector<1024x1xf32> to vector<1024x2048xf32>
    %sub3A_37 = arith.subf %sub3A, %mul3A_36 : vector<1024x2048xf32>
    %get3A_38 = arith.constant 0 : index
    %get3A_39 = arith.constant 0 : index
    %get3A_40 = vector.load %arg6[%get3A_38, %get3A_39] : memref<1x8192xf32, #tpu.memory_space<vmem>>, vector<1x2048xf32>
    %add3A_41 = vector.broadcast %get3A_40 : vector<1x2048xf32> to vector<1024x2048xf32>
    %add3A_42 = arith.addf %sub3A_37, %add3A_41 : vector<1024x2048xf32>
    %neg3A = arith.constant 0.000000e+00 : f32
    %neg3A_43 = vector.broadcast %neg3A : f32 to vector<1024x2048xf32>
    %neg3A_44 = arith.subf %neg3A_43, %add3A_42 : vector<1024x2048xf32>
    %reduce_max3A = arith.constant dense<0xFF800000> : vector<1024xf32>
    %reduce_max3A_45 = vector.multi_reduction <maximumf>, %neg3A_44, %reduce_max3A [1] : vector<1024x2048xf32> to vector<1024xf32>
    %broadcast_in_dim3A_46 = vector.shape_cast %reduce_max3A_45 : vector<1024xf32> to vector<1024x1xf32>
    %iota3A = tpu.iota {dimensions = array<i32: 1>} : vector<1024x2048xi32>
    %eq3A = vector.broadcast %broadcast_in_dim3A_46 : vector<1024x1xf32> to vector<1024x2048xf32>
    %eq3A_47 = arith.cmpf oeq, %neg3A_44, %eq3A : vector<1024x2048xf32>
    %jit3A = arith.constant 8192 : i32
    %broadcast_in_dim3A_48 = vector.broadcast %jit3A : i32 to vector<1024x2048xi32>
    %select_n3A = arith.select %eq3A_47, %iota3A, %broadcast_in_dim3A_48 : vector<1024x2048xi1>, vector<1024x2048xi32>
    %reduce_min3A = arith.constant dense<2147483647> : vector<1024xi32>
    %reduce_min3A_49 = vector.multi_reduction <minsi>, %select_n3A, %reduce_min3A [1] : vector<1024x2048xi32> to vector<1024xi32>
    %broadcast_in_dim3A_50 = vector.shape_cast %reduce_min3A_49 : vector<1024xi32> to vector<1024x1xi32>
    %add3A_51 = arith.constant 0 : i32
    %add3A_52 = vector.broadcast %add3A_51 : i32 to vector<1024x1xi32>
    %add3A_53 = arith.addi %broadcast_in_dim3A_50, %add3A_52 : vector<1024x1xi32>
    %gt3A = arith.cmpf ogt, %broadcast_in_dim3A_46, %broadcast_in_dim3A_26 : vector<1024x1xf32>
    %select_n3A_54 = arith.select %gt3A, %add3A_53, %broadcast_in_dim3A_28 : vector<1024x1xi1>, vector<1024x1xi32>
    %select_n3A_55 = arith.select %gt3A, %broadcast_in_dim3A_46, %broadcast_in_dim3A_26 : vector<1024x1xi1>, vector<1024x1xf32>
    %get3A_56 = arith.constant 0 : index
    %get3A_57 = arith.constant 2048 : index
    %get3A_58 = vector.load %arg5[%get3A_56, %get3A_57] : memref<64x8192xf32, #tpu.memory_space<vmem>>, vector<64x2048xf32>
    %dot_general3A_59 = arith.constant dense<0.000000e+00> : vector<1024x2048xf32>
    %dot_general3A_60 = tpu.matmul %div3A_20, %get3A_58, %dot_general3A_59 {dimension_numbers = #tpu.dot_dimension_numbers<[1], [0], [0], [1], [0, 0, 1, 1], [], []>, transpose_lhs_hint = false} : vector<1024x64xf32>, vector<64x2048xf32>, vector<1024x2048xf32> -> vector<1024x2048xf32>
    %mul3A_61 = arith.constant 2.000000e+00 : f32
    %mul3A_62 = vector.broadcast %mul3A_61 : f32 to vector<1024x2048xf32>
    %mul3A_63 = arith.mulf %mul3A_62, %dot_general3A_60 : vector<1024x2048xf32>
    %sub3A_64 = vector.broadcast %broadcast_in_dim3A_24 : vector<1024x1xf32> to vector<1024x2048xf32>
    %sub3A_65 = arith.subf %sub3A_64, %mul3A_63 : vector<1024x2048xf32>
    %get3A_66 = arith.constant 0 : index
    %get3A_67 = arith.constant 2048 : index
    %get3A_68 = vector.load %arg6[%get3A_66, %get3A_67] : memref<1x8192xf32, #tpu.memory_space<vmem>>, vector<1x2048xf32>
    %add3A_69 = vector.broadcast %get3A_68 : vector<1x2048xf32> to vector<1024x2048xf32>
    %add3A_70 = arith.addf %sub3A_65, %add3A_69 : vector<1024x2048xf32>
    %neg3A_71 = arith.constant 0.000000e+00 : f32
    %neg3A_72 = vector.broadcast %neg3A_71 : f32 to vector<1024x2048xf32>
    %neg3A_73 = arith.subf %neg3A_72, %add3A_70 : vector<1024x2048xf32>
    %reduce_max3A_74 = arith.constant dense<0xFF800000> : vector<1024xf32>
    %reduce_max3A_75 = vector.multi_reduction <maximumf>, %neg3A_73, %reduce_max3A_74 [1] : vector<1024x2048xf32> to vector<1024xf32>
    %broadcast_in_dim3A_76 = vector.shape_cast %reduce_max3A_75 : vector<1024xf32> to vector<1024x1xf32>
    %iota3A_77 = tpu.iota {dimensions = array<i32: 1>} : vector<1024x2048xi32>
    %eq3A_78 = vector.broadcast %broadcast_in_dim3A_76 : vector<1024x1xf32> to vector<1024x2048xf32>
    %eq3A_79 = arith.cmpf oeq, %neg3A_73, %eq3A_78 : vector<1024x2048xf32>
    %jit3A_80 = arith.constant 8192 : i32
    %broadcast_in_dim3A_81 = vector.broadcast %jit3A_80 : i32 to vector<1024x2048xi32>
    %select_n3A_82 = arith.select %eq3A_79, %iota3A_77, %broadcast_in_dim3A_81 : vector<1024x2048xi1>, vector<1024x2048xi32>
    %reduce_min3A_83 = arith.constant dense<2147483647> : vector<1024xi32>
    %reduce_min3A_84 = vector.multi_reduction <minsi>, %select_n3A_82, %reduce_min3A_83 [1] : vector<1024x2048xi32> to vector<1024xi32>
    %broadcast_in_dim3A_85 = vector.shape_cast %reduce_min3A_84 : vector<1024xi32> to vector<1024x1xi32>
    %add3A_86 = arith.constant 2048 : i32
    %add3A_87 = vector.broadcast %add3A_86 : i32 to vector<1024x1xi32>
    %add3A_88 = arith.addi %broadcast_in_dim3A_85, %add3A_87 : vector<1024x1xi32>
    %gt3A_89 = arith.cmpf ogt, %broadcast_in_dim3A_76, %select_n3A_55 : vector<1024x1xf32>
    %select_n3A_90 = arith.select %gt3A_89, %add3A_88, %select_n3A_54 : vector<1024x1xi1>, vector<1024x1xi32>
    %select_n3A_91 = arith.select %gt3A_89, %broadcast_in_dim3A_76, %select_n3A_55 : vector<1024x1xi1>, vector<1024x1xf32>
    %broadcast_in_dim3A_92 = arith.constant 0xFF800000 : f32
    %broadcast_in_dim3A_93 = vector.broadcast %broadcast_in_dim3A_92 : f32 to vector<1024x1xf32>
    %broadcast_in_dim3A_94 = arith.constant 0 : i32
    %broadcast_in_dim3A_95 = vector.broadcast %broadcast_in_dim3A_94 : i32 to vector<1024x1xi32>
    %get3A_96 = arith.constant 0 : index
    %get3A_97 = arith.constant 4096 : index
    %get3A_98 = vector.load %arg5[%get3A_96, %get3A_97] : memref<64x8192xf32, #tpu.memory_space<vmem>>, vector<64x2048xf32>
    %dot_general3A_99 = arith.constant dense<0.000000e+00> : vector<1024x2048xf32>
    %dot_general3A_100 = tpu.matmul %div3A_20, %get3A_98, %dot_general3A_99 {dimension_numbers = #tpu.dot_dimension_numbers<[1], [0], [0], [1], [0, 0, 1, 1], [], []>, transpose_lhs_hint = false} : vector<1024x64xf32>, vector<64x2048xf32>, vector<1024x2048xf32> -> vector<1024x2048xf32>
    %mul3A_101 = arith.constant 2.000000e+00 : f32
    %mul3A_102 = vector.broadcast %mul3A_101 : f32 to vector<1024x2048xf32>
    %mul3A_103 = arith.mulf %mul3A_102, %dot_general3A_100 : vector<1024x2048xf32>
    %sub3A_104 = vector.broadcast %broadcast_in_dim3A_24 : vector<1024x1xf32> to vector<1024x2048xf32>
    %sub3A_105 = arith.subf %sub3A_104, %mul3A_103 : vector<1024x2048xf32>
    %get3A_106 = arith.constant 0 : index
    %get3A_107 = arith.constant 4096 : index
    %get3A_108 = vector.load %arg6[%get3A_106, %get3A_107] : memref<1x8192xf32, #tpu.memory_space<vmem>>, vector<1x2048xf32>
    %add3A_109 = vector.broadcast %get3A_108 : vector<1x2048xf32> to vector<1024x2048xf32>
    %add3A_110 = arith.addf %sub3A_105, %add3A_109 : vector<1024x2048xf32>
    %neg3A_111 = arith.constant 0.000000e+00 : f32
    %neg3A_112 = vector.broadcast %neg3A_111 : f32 to vector<1024x2048xf32>
    %neg3A_113 = arith.subf %neg3A_112, %add3A_110 : vector<1024x2048xf32>
    %reduce_max3A_114 = arith.constant dense<0xFF800000> : vector<1024xf32>
    %reduce_max3A_115 = vector.multi_reduction <maximumf>, %neg3A_113, %reduce_max3A_114 [1] : vector<1024x2048xf32> to vector<1024xf32>
    %broadcast_in_dim3A_116 = vector.shape_cast %reduce_max3A_115 : vector<1024xf32> to vector<1024x1xf32>
    %iota3A_117 = tpu.iota {dimensions = array<i32: 1>} : vector<1024x2048xi32>
    %eq3A_118 = vector.broadcast %broadcast_in_dim3A_116 : vector<1024x1xf32> to vector<1024x2048xf32>
    %eq3A_119 = arith.cmpf oeq, %neg3A_113, %eq3A_118 : vector<1024x2048xf32>
    %jit3A_120 = arith.constant 8192 : i32
    %broadcast_in_dim3A_121 = vector.broadcast %jit3A_120 : i32 to vector<1024x2048xi32>
    %select_n3A_122 = arith.select %eq3A_119, %iota3A_117, %broadcast_in_dim3A_121 : vector<1024x2048xi1>, vector<1024x2048xi32>
    %reduce_min3A_123 = arith.constant dense<2147483647> : vector<1024xi32>
    %reduce_min3A_124 = vector.multi_reduction <minsi>, %select_n3A_122, %reduce_min3A_123 [1] : vector<1024x2048xi32> to vector<1024xi32>
    %broadcast_in_dim3A_125 = vector.shape_cast %reduce_min3A_124 : vector<1024xi32> to vector<1024x1xi32>
    %add3A_126 = arith.constant 4096 : i32
    %add3A_127 = vector.broadcast %add3A_126 : i32 to vector<1024x1xi32>
    %add3A_128 = arith.addi %broadcast_in_dim3A_125, %add3A_127 : vector<1024x1xi32>
    %gt3A_129 = arith.cmpf ogt, %broadcast_in_dim3A_116, %broadcast_in_dim3A_93 : vector<1024x1xf32>
    %select_n3A_130 = arith.select %gt3A_129, %add3A_128, %broadcast_in_dim3A_95 : vector<1024x1xi1>, vector<1024x1xi32>
    %select_n3A_131 = arith.select %gt3A_129, %broadcast_in_dim3A_116, %broadcast_in_dim3A_93 : vector<1024x1xi1>, vector<1024x1xf32>
    %get3A_132 = arith.constant 0 : index
    %get3A_133 = arith.constant 6144 : index
    %get3A_134 = vector.load %arg5[%get3A_132, %get3A_133] : memref<64x8192xf32, #tpu.memory_space<vmem>>, vector<64x2048xf32>
    %dot_general3A_135 = arith.constant dense<0.000000e+00> : vector<1024x2048xf32>
    %dot_general3A_136 = tpu.matmul %div3A_20, %get3A_134, %dot_general3A_135 {dimension_numbers = #tpu.dot_dimension_numbers<[1], [0], [0], [1], [0, 0, 1, 1], [], []>, transpose_lhs_hint = false} : vector<1024x64xf32>, vector<64x2048xf32>, vector<1024x2048xf32> -> vector<1024x2048xf32>
    %mul3A_137 = arith.constant 2.000000e+00 : f32
    %mul3A_138 = vector.broadcast %mul3A_137 : f32 to vector<1024x2048xf32>
    %mul3A_139 = arith.mulf %mul3A_138, %dot_general3A_136 : vector<1024x2048xf32>
    %sub3A_140 = vector.broadcast %broadcast_in_dim3A_24 : vector<1024x1xf32> to vector<1024x2048xf32>
    %sub3A_141 = arith.subf %sub3A_140, %mul3A_139 : vector<1024x2048xf32>
    %get3A_142 = arith.constant 0 : index
    %get3A_143 = arith.constant 6144 : index
    %get3A_144 = vector.load %arg6[%get3A_142, %get3A_143] : memref<1x8192xf32, #tpu.memory_space<vmem>>, vector<1x2048xf32>
    %add3A_145 = vector.broadcast %get3A_144 : vector<1x2048xf32> to vector<1024x2048xf32>
    %add3A_146 = arith.addf %sub3A_141, %add3A_145 : vector<1024x2048xf32>
    %neg3A_147 = arith.constant 0.000000e+00 : f32
    %neg3A_148 = vector.broadcast %neg3A_147 : f32 to vector<1024x2048xf32>
    %neg3A_149 = arith.subf %neg3A_148, %add3A_146 : vector<1024x2048xf32>
    %reduce_max3A_150 = arith.constant dense<0xFF800000> : vector<1024xf32>
    %reduce_max3A_151 = vector.multi_reduction <maximumf>, %neg3A_149, %reduce_max3A_150 [1] : vector<1024x2048xf32> to vector<1024xf32>
    %broadcast_in_dim3A_152 = vector.shape_cast %reduce_max3A_151 : vector<1024xf32> to vector<1024x1xf32>
    %iota3A_153 = tpu.iota {dimensions = array<i32: 1>} : vector<1024x2048xi32>
    %eq3A_154 = vector.broadcast %broadcast_in_dim3A_152 : vector<1024x1xf32> to vector<1024x2048xf32>
    %eq3A_155 = arith.cmpf oeq, %neg3A_149, %eq3A_154 : vector<1024x2048xf32>
    %jit3A_156 = arith.constant 8192 : i32
    %broadcast_in_dim3A_157 = vector.broadcast %jit3A_156 : i32 to vector<1024x2048xi32>
    %select_n3A_158 = arith.select %eq3A_155, %iota3A_153, %broadcast_in_dim3A_157 : vector<1024x2048xi1>, vector<1024x2048xi32>
    %reduce_min3A_159 = arith.constant dense<2147483647> : vector<1024xi32>
    %reduce_min3A_160 = vector.multi_reduction <minsi>, %select_n3A_158, %reduce_min3A_159 [1] : vector<1024x2048xi32> to vector<1024xi32>
    %broadcast_in_dim3A_161 = vector.shape_cast %reduce_min3A_160 : vector<1024xi32> to vector<1024x1xi32>
    %add3A_162 = arith.constant 6144 : i32
    %add3A_163 = vector.broadcast %add3A_162 : i32 to vector<1024x1xi32>
    %add3A_164 = arith.addi %broadcast_in_dim3A_161, %add3A_163 : vector<1024x1xi32>
    %gt3A_165 = arith.cmpf ogt, %broadcast_in_dim3A_152, %select_n3A_131 : vector<1024x1xf32>
    %select_n3A_166 = arith.select %gt3A_165, %add3A_164, %select_n3A_130 : vector<1024x1xi1>, vector<1024x1xi32>
    %select_n3A_167 = arith.select %gt3A_165, %broadcast_in_dim3A_152, %select_n3A_131 : vector<1024x1xi1>, vector<1024x1xf32>
    %bitcast_convert_type3A = tpu.bitcast %select_n3A_91 : vector<1024x1xf32> -> vector<1024x1xi32>
    %shift_right_logical3A = arith.constant 16 : i32
    %shift_right_logical3A_168 = vector.broadcast %shift_right_logical3A : i32 to vector<1024x1xi32>
    %shift_right_logical3A_169 = arith.shrui %bitcast_convert_type3A, %shift_right_logical3A_168 : vector<1024x1xi32>
    %and3A = arith.constant 1 : i32
    %and3A_170 = vector.broadcast %and3A : i32 to vector<1024x1xi32>
    %and3A_171 = arith.andi %shift_right_logical3A_169, %and3A_170 : vector<1024x1xi32>
    %add3A_172 = arith.constant 32767 : i32
    %add3A_173 = vector.broadcast %add3A_172 : i32 to vector<1024x1xi32>
    %add3A_174 = arith.addi %bitcast_convert_type3A, %add3A_173 : vector<1024x1xi32>
    %add3A_175 = arith.addi %add3A_174, %and3A_171 : vector<1024x1xi32>
    %and3A_176 = arith.constant -65536 : i32
    %and3A_177 = vector.broadcast %and3A_176 : i32 to vector<1024x1xi32>
    %and3A_178 = arith.andi %add3A_175, %and3A_177 : vector<1024x1xi32>
    %bitcast_convert_type3A_179 = tpu.bitcast %and3A_178 : vector<1024x1xi32> -> vector<1024x1xf32>
    %gt3A_180 = arith.cmpf ogt, %select_n3A_167, %bitcast_convert_type3A_179 : vector<1024x1xf32>
    %select_n3A_181 = arith.select %gt3A_180, %select_n3A_166, %select_n3A_90 : vector<1024x1xi1>, vector<1024x1xi32>
    %swap3A_182 = arith.constant 0 : index
    %swap3A_183 = arith.constant 0 : index
    %swap3A_184 = arith.constant 0 : index
    %swap3A_185 = vector.load %arg8[%swap3A_182, %swap3A_183, %swap3A_184] : memref<1x1024x1xi32, #tpu.memory_space<vmem>>, vector<1x1024x1xi32>
    %swap3A_186 = vector.shape_cast %swap3A_185 : vector<1x1024x1xi32> to vector<1024x1xi32>
    %swap3A_187 = vector.shape_cast %select_n3A_181 : vector<1024x1xi32> to vector<1x1024x1xi32>
    tpu.vector_store %arg8[%swap3A_182, %swap3A_183, %swap3A_184], %swap3A_187 {strides = array<i32>} : memref<1x1024x1xi32, #tpu.memory_space<vmem>>, vector<1x1024x1xi32>,
    return
  }
  func.func @transform_0(%arg0: i32, %arg1: i32) -> (i32, i32, i32) {
    %c0_i32 = arith.constant 0 : i32
    %c0_i32_0 = arith.constant 0 : i32
    return %arg0, %c0_i32, %arg1 : i32, i32, i32
  }
  func.func @transform_1(%arg0: i32, %arg1: i32) -> (i32, i32) {
    %c0_i32 = arith.constant 0 : i32
    %c0_i32_0 = arith.constant 0 : i32
    %c0_i32_1 = arith.constant 0 : i32
    return %c0_i32, %c0_i32_0 : i32, i32
  }
  func.func @transform_2(%arg0: i32, %arg1: i32) -> (i32, i32) {
    %c0_i32 = arith.constant 0 : i32
    %c0_i32_0 = arith.constant 0 : i32
    %c0_i32_1 = arith.constant 0 : i32
    return %c0_i32, %c0_i32_0 : i32, i32
  }
  func.func @transform_3(%arg0: i32, %arg1: i32) -> (i32, i32) {
    %c0_i32 = arith.constant 0 : i32
    %c0_i32_0 = arith.constant 0 : i32
    %c0_i32_1 = arith.constant 0 : i32
    return %c0_i32, %c0_i32_0 : i32, i32
  }
  func.func @transform_4(%arg0: i32, %arg1: i32) -> (i32, i32) {
    %c0_i32 = arith.constant 0 : i32
    %c0_i32_0 = arith.constant 0 : i32
    %c0_i32_1 = arith.constant 0 : i32
    return %c0_i32, %c0_i32_0 : i32, i32
  }
  func.func @transform_5(%arg0: i32, %arg1: i32) -> (i32, i32, i32) {
    %c0_i32 = arith.constant 0 : i32
    %c0_i32_0 = arith.constant 0 : i32
    return %arg0, %c0_i32, %arg1 : i32, i32, i32
  }
  func.func @transform_6(%arg0: i32, %arg1: i32) -> (i32, i32, i32) {
    %mul3A = arith.constant 2 : i32
    %mul3A_0 = arith.muli %arg0, %mul3A : i32
    %add3A = arith.addi %mul3A_0, %arg1 : i32
    %c0_i32 = arith.constant 0 : i32
    %c0_i32_1 = arith.constant 0 : i32
    %c0_i32_2 = arith.constant 0 : i32
    return %add3A, %c0_i32, %c0_i32_1 : i32, i32, i32
  }
}

module attributes {stable_mosaic.version = 14 : i64} {
  func.func @_dec_body(%arg0: i32, %arg1: i32, %arg2: memref<1x64x1024xf32, #tpu.memory_space<vmem>>, %arg3: memref<1024x128xf32, #tpu.memory_space<vmem>>, %arg4: memref<768x64xf32, #tpu.memory_space<vmem>>, %arg5: memref<768x1xf32, #tpu.memory_space<vmem>>, %arg6: memref<1x768x1024xf32, #tpu.memory_space<vmem>>, %arg7: memref<1x1x128xf32, #tpu.memory_space<vmem>>) attributes {dimension_semantics = [#tpu.dimension_semantics<arbitrary>, #tpu.dimension_semantics<arbitrary>], iteration_bounds = array<i64: 8, 2>, scalar_prefetch = 0 : i64, scratch_operands = 0 : i64, tpu.core_type = #tpu.core_type<tc>, window_params = [{transform_indices = @transform_0, window_bounds = array<i64: 1, 64, 1024>}, {transform_indices = @transform_1, window_bounds = array<i64: 1024, 128>}, {pipeline_mode = #tpu.pipeline_mode<synchronous>, transform_indices = @transform_2, window_bounds = array<i64: 768, 64>}, {pipeline_mode = #tpu.pipeline_mode<synchronous>, transform_indices = @transform_3, window_bounds = array<i64: 768, 1>}, {transform_indices = @transform_4, window_bounds = array<i64: 1, 768, 1024>}, {transform_indices = @transform_5, window_bounds = array<i64: 1, 1, 128>}]} {
    %get3A = arith.constant 0 : index
    %get3A_0 = arith.constant 0 : index
    %get3A_1 = arith.constant 0 : index
    %get3A_2 = vector.load %arg2[%get3A, %get3A_0, %get3A_1] : memref<1x64x1024xf32, #tpu.memory_space<vmem>>, vector<1x64x1024xf32>
    %get3A_3 = vector.shape_cast %get3A_2 : vector<1x64x1024xf32> to vector<64x1024xf32>
    %get3A_4 = arith.constant 0 : index
    %get3A_5 = arith.constant 0 : index
    %get3A_6 = vector.load %arg3[%get3A_4, %get3A_5] : memref<1024x128xf32, #tpu.memory_space<vmem>>, vector<1024x64xf32>
    %transpose3A = tpu.transpose %get3A_6, [1, 0] : vector<1024x64xf32> -> vector<64x1024xf32>
    %sub3A = arith.subf %transpose3A, %get3A_3 : vector<64x1024xf32>
    %add3A = arith.addf %get3A_3, %sub3A : vector<64x1024xf32>
    %get3A_7 = arith.constant 0 : index
    %get3A_8 = arith.constant 0 : index
    %get3A_9 = vector.load %arg4[%get3A_7, %get3A_8] : memref<768x64xf32, #tpu.memory_space<vmem>>, vector<768x64xf32>
    %dot_general3A = arith.constant dense<0.000000e+00> : vector<768x1024xf32>
    %dot_general3A_10 = tpu.matmul %get3A_9, %add3A, %dot_general3A {dimension_numbers = #tpu.dot_dimension_numbers<[1], [0], [0], [1], [0, 0, 1, 1], [], []>, transpose_lhs_hint = false} : vector<768x64xf32>, vector<64x1024xf32>, vector<768x1024xf32> -> vector<768x1024xf32>
    %get3A_11 = arith.constant 0 : index
    %get3A_12 = arith.constant 0 : index
    %get3A_13 = vector.load %arg5[%get3A_11, %get3A_12] : memref<768x1xf32, #tpu.memory_space<vmem>>, vector<768x1xf32>
    %add3A_14 = vector.broadcast %get3A_13 : vector<768x1xf32> to vector<768x1024xf32>
    %add3A_15 = arith.addf %dot_general3A_10, %add3A_14 : vector<768x1024xf32>
    %swap3A = arith.constant 0 : index
    %swap3A_16 = arith.constant 0 : index
    %swap3A_17 = arith.constant 0 : index
    %swap3A_18 = vector.load %arg6[%swap3A, %swap3A_16, %swap3A_17] : memref<1x768x1024xf32, #tpu.memory_space<vmem>>, vector<1x768x1024xf32>
    %swap3A_19 = vector.shape_cast %swap3A_18 : vector<1x768x1024xf32> to vector<768x1024xf32>
    %swap3A_20 = vector.shape_cast %add3A_15 : vector<768x1024xf32> to vector<1x768x1024xf32>
    tpu.vector_store %arg6[%swap3A, %swap3A_16, %swap3A_17], %swap3A_20 {strides = array<i32>} : memref<1x768x1024xf32, #tpu.memory_space<vmem>>, vector<1x768x1024xf32>,
    %sub3A_21 = arith.subf %get3A_3, %transpose3A : vector<64x1024xf32>
    %mul3A = arith.mulf %sub3A_21, %sub3A_21 : vector<64x1024xf32>
    %reduce_sum3A = vector.shape_cast %mul3A : vector<64x1024xf32> to vector<1x64x1024xf32>
    %reduce_sum3A_22 = arith.constant dense<0.000000e+00> : vector<1xf32>
    %reduce_sum3A_23 = vector.multi_reduction <add>, %reduce_sum3A, %reduce_sum3A_22 [1, 2] : vector<1x64x1024xf32> to vector<1xf32>
    %reduce_sum3A_24 = vector.shape_cast %reduce_sum3A_23 : vector<1xf32> to vector<1x1x1xf32>
    %reduce_sum3A_25 = vector.extract %reduce_sum3A_24[0, 0, 0] : f32 from vector<1x1x1xf32>
    %eq3A = arith.constant 0 : i32
    %eq3A_26 = arith.cmpi eq, %arg1, %eq3A : i32
    %convert_element_type3A = arith.extui %eq3A_26 : i1 to i32
    %cond3A = arith.constant 0 : i32
    %cond3A_27 = arith.cmpi ne, %convert_element_type3A, %cond3A : i32
    scf.if %cond3A_27 {
      %broadcast_in_dim3A = arith.constant 0.000000e+00 : f32
      %broadcast_in_dim3A_38 = vector.broadcast %broadcast_in_dim3A : f32 to vector<1x1x128xf32>
      %swap3A_39 = arith.constant 0 : index
      %swap3A_40 = arith.constant 0 : index
      %swap3A_41 = arith.constant 0 : index
      %swap3A_42 = vector.load %arg7[%swap3A_39, %swap3A_40, %swap3A_41] : memref<1x1x128xf32, #tpu.memory_space<vmem>>, vector<1x1x128xf32>
      tpu.vector_store %arg7[%swap3A_39, %swap3A_40, %swap3A_41], %broadcast_in_dim3A_38 {strides = array<i32>} : memref<1x1x128xf32, #tpu.memory_space<vmem>>, vector<1x1x128xf32>,
    } else {
    }
    %get3A_28 = arith.constant 0 : index
    %get3A_29 = arith.constant 0 : index
    %get3A_30 = arith.constant 0 : index
    %get3A_31 = vector.load %arg7[%get3A_28, %get3A_29, %get3A_30] : memref<1x1x128xf32, #tpu.memory_space<vmem>>, vector<1x1x128xf32>
    %add3A_32 = vector.broadcast %reduce_sum3A_25 : f32 to vector<1x1x128xf32>
    %add3A_33 = arith.addf %get3A_31, %add3A_32 : vector<1x1x128xf32>
    %swap3A_34 = arith.constant 0 : index
    %swap3A_35 = arith.constant 0 : index
    %swap3A_36 = arith.constant 0 : index
    %swap3A_37 = vector.load %arg7[%swap3A_34, %swap3A_35, %swap3A_36] : memref<1x1x128xf32, #tpu.memory_space<vmem>>, vector<1x1x128xf32>
    tpu.vector_store %arg7[%swap3A_34, %swap3A_35, %swap3A_36], %add3A_33 {strides = array<i32>} : memref<1x1x128xf32, #tpu.memory_space<vmem>>, vector<1x1x128xf32>,
    return
  }
  func.func @transform_0(%arg0: i32, %arg1: i32) -> (i32, i32, i32) {
    %c0_i32 = arith.constant 0 : i32
    %c0_i32_0 = arith.constant 0 : i32
    return %arg0, %c0_i32, %arg1 : i32, i32, i32
  }
  func.func @transform_1(%arg0: i32, %arg1: i32) -> (i32, i32) {
    %mul3A = arith.constant 2 : i32
    %mul3A_0 = arith.muli %arg0, %mul3A : i32
    %add3A = arith.addi %mul3A_0, %arg1 : i32
    %c0_i32 = arith.constant 0 : i32
    %c0_i32_1 = arith.constant 0 : i32
    return %add3A, %c0_i32 : i32, i32
  }
  func.func @transform_2(%arg0: i32, %arg1: i32) -> (i32, i32) {
    %c0_i32 = arith.constant 0 : i32
    %c0_i32_0 = arith.constant 0 : i32
    %c0_i32_1 = arith.constant 0 : i32
    return %c0_i32, %c0_i32_0 : i32, i32
  }
  func.func @transform_3(%arg0: i32, %arg1: i32) -> (i32, i32) {
    %c0_i32 = arith.constant 0 : i32
    %c0_i32_0 = arith.constant 0 : i32
    %c0_i32_1 = arith.constant 0 : i32
    return %c0_i32, %c0_i32_0 : i32, i32
  }
  func.func @transform_4(%arg0: i32, %arg1: i32) -> (i32, i32, i32) {
    %c0_i32 = arith.constant 0 : i32
    %c0_i32_0 = arith.constant 0 : i32
    return %arg0, %c0_i32, %arg1 : i32, i32, i32
  }
  func.func @transform_5(%arg0: i32, %arg1: i32) -> (i32, i32, i32) {
    %c0_i32 = arith.constant 0 : i32
    %c0_i32_0 = arith.constant 0 : i32
    %c0_i32_1 = arith.constant 0 : i32
    return %arg0, %c0_i32, %c0_i32_0 : i32, i32, i32
  }
}

</mosaic_0001>

<sc_bundles>
// kernel: kernel.6.cloned.1.call-start
scs
__scs_entry_jumppad:
0x0: {  	(pc) =	sbr.rel $0x88, $3  }
0x1: {  	(tag) =	ssettag $0x0;
	lr =	simm.s32 $0x1  }
0x2: {  	[smem:$0x3F99] =	sst lr;
	_ =	strace $0xD0000000  }
0x3: {  	_ = 	snop  }
0x4: {  	_ = 	snop  }
0x5: {  	_ = 	snop  }
0x6: {  	_ = 	snop  }
0x7: {  	_ = 	snop  }
__scs_overlays_trampoline_lowered:
0x8: {  	[smem:$0x3FA8] =	sst s0  }
0x9: {  	[smem:$0x3FA9] =	sst s1  }
0xa: {  	[smem:$0x3FAA] =	sst s2  }
0xb: {  	[smem:$0x3FAB] =	sst s3  }
0xc: {  	[smem:$0x3FAC] =	sst s4  }
0xd: {  	[smem:$0x3FAD] =	sst s5  }
0xe: {  	[smem:$0x3FAE] =	sst s6  }
0xf: {  	[smem:$0x3FAF] =	sst s7  }
0x10: {  	[smem:$0x3FB0] =	sst s8  }
0x11: {  	[smem:$0x3FB1] =	sst s9;
	s0 =	simm.s32 @!p0 $0x0  }
0x12: {  	s1 =	sld [smem:$0x3F97];
	s0 =	simm.s32 @p0 $0x1  }
0x13: {  	[smem:$0x3FB2] =	sst s0;
	s0 =	simm.s32 @!p1 $0x0  }
0x14: {  	s2 =	sld [smem:$0x3F96];
	s0 =	simm.s32 @p1 $0x1  }
0x15: {  	[smem:$0x3FB3] =	sst s0;
	s0 =	simm.s32 @!p2 $0x0  }
0x16: {  	s3 =	sld [smem:$0x3FDB];
	s0 =	simm.s32 @p2 $0x1  }
0x17: {  	s4 =	simm.s32 $0x1BF5;
	[smem:$0x3FB5] =	sst s0  }
0x18: {  	s0 =	sld [smem:$0x3F98];
	_ =	swait.ge [sflag:s4], $0x0  }
0x19: {  	s7 =	sld [smem:$0x3F99]  }
0x1a: {  	s8 =	sadd.s32 $0xFFFFE003, lr  }
0x1b: {  	s9 =	sadd.s32 $0xFFFFFEF7, lr;
	s5 =	simm.s32 $0xFFFFFFFF;
	p2 =	slt.u32 s8, $0xFFFFF086  }
0x1c: {  	p1 =	slt.u32 s9, $0xF7A;
	s5 =	simm.s32 @!p2 $0x0  }
0x1d: {  	s5 =	simm.s32 @p1 $0x1;
	p0 =	seq.s32 s7, s2  }
0x1e: {  	s7 =	smul.u32 @!p0 $0xF7A, s2;
	p2 =	seq.s32 @!p0 s5, $0x0  }
0x1f: {  	s9 =	smul.u32 $0xF7A, s1;
	s8 =	simm.s32 @!p0 $0x1BF5;
	p2 =	por !p2, p0  }
0x20: {  	[sflag:s8] =	ssyncset.s32 @!p0 $0xFFFFF086;
	s6 =	sadd.s32 @!p0 s3, s7;
	s7 =	simm.s32 @!p0 $0x108  }
0x21: {  	s3 =	sadd.s32 s3, s9;
	s6 =	sadd.s32 @!p0 $0x88, s6;
	s7 =	simm.s32 @p2 $0x1082  }
0x22: {  	[simem:s7], [sflag:s8] =	dma.local @!p0 [hbm:s6], $0xF7A  }
0x23: {  	s9 =	sor.u32 $0xD0000000, s2;
	s6 =	simm.s32 $0x108;
	_ =	swait.ge @!p0 [sflag:s8], $0x0  }
0x24: {  	s3 =	sadd.s32 $0x88, s3;
	s6 =	simm.s32 @!p1 $0x1082;
	[sflag:s4] =	ssyncset.s32 $0xFFFFF086  }
0x25: {  	[simem:s6], [sflag:s4] =	dma.local [hbm:s3], $0xF7A  }
0x26: {  	[smem:$0x3F99] =	sst s1;
	(tag) =	ssettag s2;
	_ =	strace s9  }
0x27: {  	s1 =	sld [smem:$0x3FA9]  }
0x28: {  	s2 =	sld [smem:$0x3FAA]  }
0x29: {  	s4 =	sld [smem:$0x3FAC]  }
0x2a: {  	p0 =	seq.s32 s5, $0x0;
	s5 =	sld [smem:$0x3FAD]  }
0x2b: {  	s6 =	sld [smem:$0x3FAE]  }
0x2c: {  	s7 =	sld [smem:$0x3FAF]  }
0x2d: {  	s3 =	simm.s32 $0x108;
	s8 =	sld [smem:$0x3FB0]  }
0x2e: {  	s3 =	simm.s32 @!p0 $0x1082;
	s9 =	sld [smem:$0x3FB1]  }
0x2f: {  	lr =	sadd.s32 s0, s3;
	s0 =	sld [smem:$0x3FA8]  }
0x30: {  	s3 =	sld [smem:$0x3FAB]  }
0x31: {  	[smem:$0x3FB4] =	sst s10  }
0x32: {  	s10 =	sld [smem:$0x3FB2];
	_ =	sdelay $0x3  }
0x33: {  	p0 =	seq.s32 s10, $0x1;
	s10 =	sld [smem:$0x3FB4];
	_ =	sdelay $0x3  }
0x34: {  	[smem:$0x3FB4] =	sst s10  }
0x35: {  	s10 =	sld [smem:$0x3FB3];
	_ =	sdelay $0x3  }
0x36: {  	p1 =	seq.s32 s10, $0x1;
	s10 =	sld [smem:$0x3FB4];
	_ =	sdelay $0x3  }
0x37: {  	[smem:$0x3FB4] =	sst s10  }
0x38: {  	s10 =	sld [smem:$0x3FB5]  }
0x39: {  	_ = 	snop;
	(pc) =	sbr.ind lr, $3  }
0x3a: {  	_ = 	snop  }
0x3b: {  	_ = 	snop  }
0x3c: {  	p2 =	seq.s32 s10, $0x1;
	s10 =	sld [smem:$0x3FB4]  }
0x3d: {  	_ =	shalt  }
0x3e: {  	_ =	shalt  }
0x3f: {  	_ =	shalt  }
0x40: {  	_ =	shalt  }
0x41: {  	_ =	shalt  }
0x42: {  	_ =	shalt  }
0x43: {  	_ =	shalt  }
0x44: {  	_ =	shalt  }
0x45: {  	_ =	shalt  }
0x46: {  	_ =	shalt  }
0x47: {  	_ =	shalt  }
0x48: {  	_ =	shalt  }
0x49: {  	_ =	shalt  }
0x4a: {  	_ =	shalt  }
0x4b: {  	_ =	shalt  }
0x4c: {  	_ =	shalt  }
0x4d: {  	_ =	shalt  }
0x4e: {  	_ =	shalt  }
0x4f: {  	_ =	shalt  }
0x50: {  	_ =	shalt  }
0x51: {  	_ =	shalt  }
0x52: {  	_ =	shalt  }
0x53: {  	_ =	shalt  }
0x54: {  	_ =	shalt  }
0x55: {  	_ =	shalt  }
0x56: {  	_ =	shalt  }
0x57: {  	_ =	shalt  }
0x58: {  	_ =	shalt  }
0x59: {  	_ =	shalt  }
0x5a: {  	_ =	shalt  }
0x5b: {  	_ =	shalt  }
0x5c: {  	_ =	shalt  }
0x5d: {  	_ =	shalt  }
0x5e: {  	_ =	shalt  }
0x5f: {  	_ =	shalt  }
0x60: {  	_ =	shalt  }
0x61: {  	_ =	shalt  }
0x62: {  	_ =	shalt  }
0x63: {  	_ =	shalt  }
0x64: {  	_ =	shalt  }
0x65: {  	_ =	shalt  }
0x66: {  	_ =	shalt  }
0x67: {  	_ =	shalt  }
0x68: {  	_ =	shalt  }
0x69: {  	_ =	shalt  }
0x6a: {  	_ =	shalt  }
0x6b: {  	_ =	shalt  }
0x6c: {  	_ =	shalt  }
0x6d: {  	_ =	shalt  }
0x6e: {  	_ =	shalt  }
0x6f: {  	_ =	shalt  }
0x70: {  	_ =	shalt  }
0x71: {  	_ =	shalt  }
0x72: {  	_ =	shalt  }
0x73: {  	_ =	shalt  }
0x74: {  	_ =	shalt  }
0x75: {  	_ =	shalt  }
0x76: {  	_ =	shalt  }
0x77: {  	_ =	shalt  }
0x78: {  	_ =	shalt  }
0x79: {  	_ =	shalt  }
0x7a: {  	_ =	shalt  }
0x7b: {  	_ =	shalt  }
0x7c: {  	_ =	shalt  }
0x7d: {  	_ =	shalt  }
0x7e: {  	_ =	shalt  }
0x7f: {  	_ =	shalt  }
0x80: {  	_ =	shalt  }
0x81: {  	_ =	shalt  }
0x82: {  	_ =	shalt  }
0x83: {  	_ =	shalt  }
0x84: {  	_ =	shalt  }
0x85: {  	_ =	shalt  }
0x86: {  	_ =	shalt  }
0x87: {  	_ =	shalt  }
.Lfunc_end0:
.L_simem_size_0:
called_computation_lowered:
.L_overlay_start_0:
0x88: {  	s2 =	sld [smem:$0x3FD9]  }
0x89: {  	s3 =	sld [smem:$0x3FFE];
	_ =	sdelay $0x1  }
0x8a: {  	s1 =	srdreg.scid  }
0x8b: {  	s0 =	sand.u32 $0x1, s1  }
0x8c: {  	s14 =	sshll.u32 s0, $0xA;
	s2 =	sadd.s32 s3, s2  }
0x8d: {  	s2 =	sadd.s32 s2, s14  }
0x8e: {  	[smem:$0x3FC0] =	sst s2  }
0x8f: {  	_ = 	snop  }
0x90: {  	s2 =	sld [smem:$0x3FD0];
	_ =	sdelay $0x2  }
0x91: {  	s15 =	simm.s32 $0xA;
	s4 =	simm.s32 $0x10  }
0x92: {  	[smem:s4], [sflag:s15] =	dma.local [hbm:s2], $0x1  }
0x93: {  	_ =	swait.eq [sflag:s15], $0x1  }
0x94: {  	[sflag:s15] =	ssyncset.done $0x0  }
0x95: {  	[sflag:s15] =	ssyncadd.s32 $0xFFFFFFFF  }
0x96: {  	s16 =	sld [smem:$0x10];
	(tm) =	ssettm $0x1  }
0x97: {  	s17 =	sld [smem:$0x3FFB];
	_ =	sdelay $0x3  }
0x98: {  	_ =	strace s17  }
0x99: {  	s3 =	sld [smem:$0x3FFC];
	_ =	sdelay $0x3  }
0x9a: {  	_ =	strace s3  }
0x9b: {  	s3 =	sld [smem:$0x3FFD];
	_ =	sdelay $0x3  }
0x9c: {  	_ =	strace s3  }
0x9d: {  	_ =	strace $0x8FFFFFFF  }
0x9e: {  	s18 =	sld [smem:$0x3FDB];
	_ =	sdelay $0x1  }
0x9f: {  	s19 =	simm.s32 $_scs_section_size  }
0xa0: {  	s5 =	simm.s32 $_size__tile_overlayer_lowered;
	s6 =	simm.s32 $_tile_overlayer_lowered  }
0xa1: {  	s22 =	simm.s32 $0x1BFF;
	s21 =	sshll.u32 s6, $0x1;
	s3 =	sadd.s32 s19, s18  }
0xa2: {  	s7 =	simm.s32 $0x0;
	s20 =	sshll.u32 s5, $0x1;
	s5 =	sadd.s32 s21, s3  }
0xa3: {  	[timem:s7], [sflag:s22] =	dma.local [hbm:s5], s20  }
0xa4: {  	_ =	swait.ge [sflag:s22], s20  }
0xa5: {  	s4 =	ssub.s32 $0x0, s20;
	[sflag:s22] =	ssyncset.done $0x0  }
0xa6: {  	[sflag:s22] =	ssyncadd.s32 s4;
	_ =	sdelay $0x1  }
0xa7: {  	s23 =	simm.s32 $0x1B8B  }
0xa8: {  	_ =	swait.ge [sflag:s23], $0x1  }
0xa9: {  	[sflag:s23] =	ssyncset.done $0x0  }
0xaa: {  	s25 =	simm.s32 $0x1B8E;
	s24 =	sld [smem:$0x3FFE];
	[sflag:s23] =	ssyncadd.s32 $0xFFFFFFFF  }
0xab: {  	s26 =	simm.s32 $execute0_lowered;
	[smem:$0x3FD2] =	sst s25  }
0xac: {  	s5 =	sshll.u32 s26, $0x1;
	_ =	strace $0x80000046;
	[dreg:$0x1] =	wrdreg $0xFFFFFFFF  }
0xad: {  	s28 =	simm.s32 $_size_execute0_lowered;
	s3 =	sadd.s32 s3, s5;
	[dreg:$0x0] =	wrdreg $0x0  }
0xae: {  	s5 =	sshll.u32 s28, $0x1;
	[dreg:$0x2] =	wrdreg s3  }
0xaf: {  	[dreg:$0x3] =	wrdreg s5  }
0xb0: {  	[dreg:$0x4] =	wrdreg $0xC0  }
0xb1: {  	_ =	task [dreg:s7], $0x5FFFF  }
0xb2: {  	[dreg:$0x1] =	wrdreg $0xFFFFFFFF  }
0xb3: {  	[dreg:$0x0] =	wrdreg $0x60  }
0xb4: {  	[dreg:$0x2] =	wrdreg s24  }
0xb5: {  	[dreg:$0x3] =	wrdreg s16  }
0xb6: {  	[dreg:$0x4] =	wrdreg $0x9  }
0xb7: {  	_ =	task.clear_ibuf [dreg:s7], $0x5FFFF;
	_ =	strace $0x90000046  }
0xb8: {  	s29 =	simm.s32 $0x9;
	_ =	strace $0x80000048  }
0xb9: {  	_ =	swait.ge [sflag:s29], $0x1  }
0xba: {  	[sflag:s29] =	ssyncadd.s32 $0xFFFFFFFF  }
0xbb: {  	_ =	strace $0x90000048  }
0xbc: {  	_ =	sfence  }
0xbd: {  	s30 =	sld [smem:$0x0];
	_ =	sdelay $0x2  }
0xbe: {  	s31 =	sshll.u32 s1, $0xD;
	s1 =	sshrl.u32 s1, $0x2  }
0xbf: {  	s3 =	sand.u32 $0x4000, s31;
	s1 =	sadd.s32 s1, s30  }
0xc0: {  	s0 =	sor.u32 s3, s0;
	s1 =	sshll.u32 s1, $0x11  }
0xc1: {  	s0 =	sor.u32 s1, s0  }
0xc2: {  	s0 =	sadd.s32 $0x8F2B, s0  }
0xc3: {  	[sflag:s0] =	ssyncadd.remote.s32 $0x1  }
0xc4: {  	_ =	sfence.sel $0xFFFF  }
0xc5: {  	[dreg:$0x0] =	wrdreg $0xFFFFFFFF;
	(pc) =	sbr.abs _section_cstart, $3  }
0xc6: {  	[dreg:$0x1] =	wrdreg $0xFFFFFFFF  }
0xc7: {  	_ =	task.clear_ibuf [dreg:s7], $0x2FFFF;
	_ =	strace $0x9FFFFFFF  }
0xc8: {  	(tm) =	ssettm $0x7FFFFFFF  }
0xc9: {  	_ =	shalt  }
tec
execute0_lowered:
.L_overlay_start_1:
0x0: {  	(tag) =	ssettag $0x1  }
0x1: {  	s1 =	srdreg.scid  }
0x2: {  	s0 =	stileid.u32;
	s14 =	sand.u32 $0x1, s1  }
0x3: {  	s5 =	rddreg [dreg:$0x0];
	s29 =	sshll.u32 s0, $0xA;
	s2 =	sshll.u32 s14, $0x9  }
0x4: {  	s15 =	rddreg [dreg:$0x1];
	s16 =	sor.u32 s2, s29  }
0x5: {  	s1 =	rddreg [dreg:$0x2];
	s2 =	simm.s32 $0x0;
	s3 =	sshrl.u32 s16, $0x3  }
0x6: {  	[smem:$0x7FF] =	sst s2;
	s3 =	sadd.s32 s3, s5  }
0x7: {  	_ =	strace $0x80000047;
	s4 =	sadd.s32 $0x20400, s3;
	s3 =	simm.s32 $0x2  }
0x8: {  	[tilespmem:s2], [sflag:$0x2] =	stream.linear.gather [hbm4b:s4+s2], $0x200, $0x38;
	[tilespmem:$0x10200] =	vst v63  }
0x9: {  	_ =	swait.ge [sflag:s3], $0x200  }
0xa: {  	s6 =	simm.s32 $0x80;
	[sflag:s3] =	ssyncset.done $0x0  }
0xb: {  	s7 =	simm.s32 $0x200;
	s5 =	sadd.s32 $0x400, s5;
	[sflag:s3] =	ssyncadd.s32 $0xFFFFFE00  }
0xc: {  	[tilespmem:s7], [sflag:$0x1] =	stream.indirect.gather [hbm4b:s5+s6], $0x80, s2, s6, $0xb8;
	[tilespmem:$0x10200] =	vst v63  }
0xd: {  	s8 =	simm.s32 $0x4200  }
0xe: {  	[tilespmem:s8], [sflag:$0x1] =	stream.indirect.gather [hbm4b:s5+s6], $0x80, s6, s6, $0xb8;
	[tilespmem:$0x10200] =	vst v63  }
0xf: {  	s9 =	simm.s32 $0x100;
	s10 =	simm.s32 $0x8200  }
0x10: {  	[tilespmem:s10], [sflag:$0x1] =	stream.indirect.gather [hbm4b:s5+s6], $0x80, s9, s6, $0xb8;
	[tilespmem:$0x10200] =	vst v63  }
0x11: {  	s11 =	simm.s32 $0x180;
	s12 =	simm.s32 $0xC200;
	s13 =	simm.s32 $0x1  }
0x12: {  	[tilespmem:s12], [sflag:$0x1] =	stream.indirect.gather [hbm4b:s5+s6], $0x80, s11, s6, $0xb8;
	[tilespmem:$0x10200] =	vst v63  }
0x13: {  	_ =	swait.ge [sflag:s13], $0x4000  }
0x14: {  	[sflag:s13] =	ssyncset.done $0x0  }
0x15: {  	[sflag:s13] =	ssyncadd.s32 $0xFFFFC000  }
0x16: {  	_ =	swait.ge [sflag:s13], $0x4000  }
0x17: {  	[sflag:s13] =	ssyncset.done $0x0  }
0x18: {  	s14 =	ssub.s32 $0x2, s14;
	[sflag:s13] =	ssyncadd.s32 $0xFFFFC000  }
0x19: {  	s17 =	sshrl.u32 s14, $0x1;
	_ =	swait.ge [sflag:s13], $0x4000  }
0x1a: {  	s17 =	ssub.s32 s14, s17;
	[sflag:s13] =	ssyncset.done $0x0  }
0x1b: {  	s31 =	smax.u32 s17, $0x1;
	[sflag:s13] =	ssyncadd.s32 $0xFFFFC000  }
0x1c: {  	p0 =	sne.s32 s31, $0x1;
	_ =	swait.ge [sflag:s13], $0x4000  }
.Ltmp0:
0x1d: {  	s30 =	sshll.u32 s16, $0x4;
	[sflag:s13] =	ssyncset.done $0x0;
	(pc) =	sbr.rel @!p0 .LBB2_2-.Ltmp0, $4  }
0x1e: {  	s14 =	sadd.s32 s15, s30;
	[sflag:s13] =	ssyncadd.s32 $0xFFFFC000  }
0x1f: {  	[hbm4b:s14+s2] =	stream.linear.scatter [tilespmem:s7], [sflag:$0x2], $0x10000, $0x38;
	[tilespmem:$0x10200] =	vst v63  }
0x20: {  	_ =	swait.ge [sflag:s3], $0x10000  }
0x21: {  	s15 =	sadd.s32 $0xFFFFFFFF, s31;
	[sflag:s3] =	ssyncset.done $0x0  }
.LBB2_1:
0x22: {  	p0 =	sne.s32 s15, $0x1;
	s15 =	sadd.s32 $0xFFFFFFFF, s15;
	[sflag:s3] =	ssyncadd.s32 $0xFFFF0000  }
0x23: {  	[tilespmem:s2], [sflag:$0x2] =	stream.linear.gather [hbm4b:s4+s2], $0x200, $0x38;
	[tilespmem:$0x10200] =	vst v63  }
0x24: {  	_ =	swait.ge [sflag:s3], $0x200  }
0x25: {  	[sflag:s3] =	ssyncset.done $0x0  }
0x26: {  	[sflag:s3] =	ssyncadd.s32 $0xFFFFFE00  }
0x27: {  	[tilespmem:s7], [sflag:$0x1] =	stream.indirect.gather [hbm4b:s5+s6], $0x80, s2, s6, $0xb8;
	[tilespmem:$0x10200] =	vst v63  }
0x28: {  	_ = 	snop  }
0x29: {  	[tilespmem:s8], [sflag:$0x1] =	stream.indirect.gather [hbm4b:s5+s6], $0x80, s6, s6, $0xb8;
	[tilespmem:$0x10200] =	vst v63  }
0x2a: {  	_ = 	snop  }
0x2b: {  	[tilespmem:s10], [sflag:$0x1] =	stream.indirect.gather [hbm4b:s5+s6], $0x80, s9, s6, $0xb8;
	[tilespmem:$0x10200] =	vst v63  }
0x2c: {  	_ = 	snop  }
0x2d: {  	[tilespmem:s12], [sflag:$0x1] =	stream.indirect.gather [hbm4b:s5+s6], $0x80, s11, s6, $0xb8;
	[tilespmem:$0x10200] =	vst v63  }
0x2e: {  	_ =	swait.ge [sflag:s13], $0x4000  }
0x2f: {  	[sflag:s13] =	ssyncset.done $0x0  }
0x30: {  	[sflag:s13] =	ssyncadd.s32 $0xFFFFC000  }
0x31: {  	_ =	swait.ge [sflag:s13], $0x4000  }
0x32: {  	[sflag:s13] =	ssyncset.done $0x0  }
0x33: {  	[sflag:s13] =	ssyncadd.s32 $0xFFFFC000  }
0x34: {  	_ =	swait.ge [sflag:s13], $0x4000  }
0x35: {  	[sflag:s13] =	ssyncset.done $0x0  }
0x36: {  	[sflag:s13] =	ssyncadd.s32 $0xFFFFC000  }
0x37: {  	_ =	swait.ge [sflag:s13], $0x4000  }
.Ltmp1:
0x38: {  	[sflag:s13] =	ssyncset.done $0x0;
	(pc) =	sbr.rel @p0 .LBB2_1-.Ltmp1, $4  }
0x39: {  	[sflag:s13] =	ssyncadd.s32 $0xFFFFC000  }
0x3a: {  	[hbm4b:s14+s2] =	stream.linear.scatter [tilespmem:s7], [sflag:$0x2], $0x10000, $0x38;
	[tilespmem:$0x10200] =	vst v63  }
0x3b: {  	_ =	swait.ge [sflag:s3], $0x10000  }
0x3c: {  	[sflag:s3] =	ssyncset.done $0x0  }
.LBB2_2:
0x3d: {  	[sflag:s3] =	ssyncadd.s32 $0xFFFF0000  }
0x3e: {  	_ =	sfence.sel $0x180000  }
0x3f: {  	[bflag:$0x0] =	sbarrier.arrive $0xFFFF  }
0x40: {  	p0 =	sne.s32 s0, $0x0;
	_ =	strace $0x90000047  }
0x41: {  	s0 =	sadd.s32 @!p0 $0x100000, s1;
	[bflag:$0x2] =	sbarrier.arrive $0xFFFF  }
0x42: {  	[sflag:s0] =	ssyncadd.tile.s32 @!p0 $0x1;
	_ =	shalt  }
.Lfunc_end2:
_tile_overlayer_lowered:
.L_overlay_start_2:
0x43: {  	(tag) =	ssettag $0x2  }
0x44: {  	s0 =	rddreg [dreg:$0x0];
	s2 =	stileid.u32  }
0x45: {  	s1 =	rddreg [dreg:$0x1];
	p0 =	sne.s32 s2, $0x0  }
0x46: {  	s3 =	rddreg [dreg:$0x2];
	[bflag:$0x3] =	sbarrier.arrive $0xFFFF;
	s2 =	simm.s32 @!p0 $0x1C02  }
0x47: {  	[timem:s3], [sflag:s2] =	dma.local @!p0 [hbm:s0], s1  }
0x48: {  	s0 =	simm.s32 @!p0 $0x2  }
0x49: {  	_ =	swait.ge @!p0 [sflag:s0], s1  }
0x4a: {  	s1 =	ssub.s32 @!p0 $0x0, s1;
	[sflag:s0] =	ssyncset.done @!p0 $0x0  }
0x4b: {  	[sflag:s0] =	ssyncadd.s32 @!p0 s1  }
0x4c: {  	[bflag:$0x3] =	sbarrier.arrive $0xFFFF  }
0x4d: {  	_ =	shalt  }

</sc_bundles>
